<compile_context>
chip_gen: v7x
topology: tpu7x:2x2x1
jax: 0.10.2.dev20260603
libtpu: 0.0.44.dev20260713+nightly
codegen_flags: <defaults>
</compile_context>

<pallas_src>
import functools

import jax
import jax.numpy as jnp
from jax import lax
from jax.experimental import pallas as pl
from jax.experimental.pallas import tpu as pltpu
from jax.experimental.pallas import tpu_sc as plsc

B, S, D, E, L, V = 128, 512, 768, 6, 2, 30000

_NW = 32
_RPW = B // _NW


@functools.cache
def _make_sc_gather():
    nc = 2
    mesh = plsc.VectorSubcoreMesh(
        core_axis_name="c", subcore_axis_name="s", num_cores=nc, num_subcores=16
    )

    @functools.partial(
        pl.kernel,
        mesh=mesh,
        out_type=jax.ShapeDtypeStruct((B, D), jnp.float32),
        scratch_types=[
            pltpu.VMEM((_RPW // 2,), jnp.int32),
            pltpu.VMEM((_RPW // 2,), jnp.int32),
            pltpu.VMEM((_RPW // 2, D), jnp.float32),
            pltpu.VMEM((_RPW // 2, D), jnp.float32),
            pltpu.SemaphoreType.DMA,
            pltpu.SemaphoreType.DMA,
        ],
    )
    def sc_gather(ids_hbm, table_hbm, out_hbm, idx_a, idx_b, rows_a, rows_b,
                  sem, sem2):
        wid = lax.axis_index("s") * nc + lax.axis_index("c")
        base = wid * _RPW
        h = _RPW // 2
        pltpu.sync_copy(ids_hbm.at[pl.ds(base, h), 0], idx_a)
        cp1 = pltpu.async_copy(table_hbm.at[idx_a], rows_a, sem)
        pltpu.sync_copy(ids_hbm.at[pl.ds(base + h, h), 0], idx_b)
        cp2 = pltpu.async_copy(table_hbm.at[idx_b], rows_b, sem2)
        cp1.wait()
        pltpu.sync_copy(rows_a, out_hbm.at[pl.ds(base, h)])
        cp2.wait()
        pltpu.sync_copy(rows_b, out_hbm.at[pl.ds(base + h, h)])

    return sc_gather


def _moe_head(cls_ref, mask_ref, gw_ref, gb_ref, ew_ref, eb_ref, out_ref):
    cls = cls_ref[...] * mask_ref[...]
    gl = jnp.dot(cls, gw_ref[...], preferred_element_type=jnp.float32) + gb_ref[...]
    eo = jnp.dot(cls, ew_ref[...], preferred_element_type=jnp.float32) + eb_ref[...]
    mx = jnp.max(gl, axis=1, keepdims=True)
    iota_e = lax.broadcasted_iota(jnp.int32, (B, E), 1)
    choice = jnp.min(jnp.where(gl >= mx, iota_e, E), axis=1, keepdims=True)
    iota_el = lax.broadcasted_iota(jnp.int32, (B, E * L), 1)
    o0 = jnp.sum(jnp.where(iota_el == L * choice, eo, 0.0), axis=1, keepdims=True)
    o1 = jnp.sum(jnp.where(iota_el == L * choice + 1, eo, 0.0), axis=1, keepdims=True)
    iota_l = lax.broadcasted_iota(jnp.int32, (B, L), 1)
    out_ref[...] = jnp.where(iota_l == 0, o0, o1)


def kernel(input_ids, attention_mask, embed_table, gate_W, gate_b, experts_W, experts_b):
    mask_col = attention_mask[:, 0:1].astype(jnp.float32)
    ew2 = jnp.transpose(experts_W, (1, 0, 2)).reshape(D, E * L)
    gb2 = gate_b.reshape(1, E)
    eb2 = experts_b.reshape(1, E * L)

    cls_raw = _make_sc_gather()(input_ids, embed_table)

    return pl.pallas_call(
        _moe_head,
        out_shape=jax.ShapeDtypeStruct((B, L), jnp.float32),
    )(cls_raw, mask_col, gate_W, gb2, ew2, eb2)

# --- scband reference (transcript-rebuilt; emitter-appended) ---
"""Pipeline reference for scband-hard-mo-eclassifier-24842090840420 (READ-ONLY COPY).

The authoritative reference and input builder live on the scoring server;
editing this copy changes nothing except your own understanding.
"""

import jax, jax.numpy as jnp
import numpy as np

B, S, D, E, L, V = 128, 512, 768, 6, 2, 30000


def setup_inputs(seed: int = 0) -> dict:
    key = jax.random.key(seed)
    ks = jax.random.split(key, 8)
    return {
        "input_ids": jax.random.randint(ks[0], (B, S), 0, V, dtype=jnp.int32),
        "attention_mask": jnp.ones((B, S), dtype=jnp.int32),
        "embed_table": jax.random.normal(ks[1], (V, D), dtype=jnp.float32) * 0.02,
        "gate_W": jax.random.normal(ks[2], (D, E), dtype=jnp.float32) * 0.02,
        "gate_b": jnp.zeros((E,), dtype=jnp.float32),
        "experts_W": jax.random.normal(ks[3], (E, D, L), dtype=jnp.float32) * 0.02,
        "experts_b": jnp.zeros((E, L), dtype=jnp.float32),
    }


def reference(input_ids, attention_mask, embed_table, gate_W, gate_b, experts_W, experts_b):
    # Stand-in encoder: token embedding lookup masked by attention_mask
    # (the pretrained ALBERT body is an external dependency; the MoE head math below is faithful).
    hidden = jnp.take(embed_table, input_ids, axis=0) * attention_mask[..., None].astype(jnp.float32)
    cls_token = hidden[:, 0, :]
    # dropout is identity at inference
    gate_logits = cls_token @ gate_W + gate_b
    expert_choice = jnp.argmax(gate_logits, axis=1)  # hard routing, top-1
    # compute every expert's output then select per-token (identical math to masked dispatch)
    all_expert_out = jnp.einsum('bd,edl->bel', cls_token, experts_W) + experts_b[None, :, :]
    out = jnp.take_along_axis(all_expert_out, expert_choice[:, None, None], axis=1)
    return out[:, 0, :]

if __name__ == "__main__":
    import jax
    _d = setup_inputs()
    print(jax.jit(kernel)(*tuple(_d.values())))

</pallas_src>

<mosaic_0001>
#map = affine_map<(d0, d1) -> (0, 0)>
module attributes {stable_mosaic.version = 14 : i64} {
  func.func @sc_gather(%arg0: i32, %arg1: i32, %arg2: memref<128x512xi32, #tpu.memory_space<hbm>>, %arg3: memref<30000x768xf32, #tpu.memory_space<hbm>>, %arg4: memref<128x768xf32, #tpu.memory_space<hbm>>, %arg5: memref<2xi32, #tpu.memory_space<vmem>>, %arg6: memref<2xi32, #tpu.memory_space<vmem>>, %arg7: memref<2x768xf32, #tpu.memory_space<vmem>>, %arg8: memref<2x768xf32, #tpu.memory_space<vmem>>, %arg9: memref<!tpu.dma_semaphore, #tpu.memory_space<semaphore_mem>>, %arg10: memref<!tpu.dma_semaphore, #tpu.memory_space<semaphore_mem>>) attributes {dimension_semantics = [#tpu.dimension_semantics<core_parallel>, #tpu.dimension_semantics<subcore_parallel>], iteration_bounds = array<i64: 2, 16>, scalar_prefetch = 0 : i64, scratch_operands = 6 : i64, tpu.core_type = #tpu.core_type<sc_vector_subcore>, window_params = [{transform_indices = #map}, {transform_indices = #map}, {transform_indices = #map}]} {
    %mul3A = arith.constant 2 : i32
    %mul3A_0 = arith.muli %arg1, %mul3A : i32
    %add3A = arith.addi %mul3A_0, %arg0 : i32
    %mul3A_1 = arith.constant 4 : i32
    %mul3A_2 = arith.muli %add3A, %mul3A_1 : i32
    %run_scoped3A = arith.constant 0 : i32
    "tpu.region"() ({
      %run_scoped3A_18 = tpu.sem_alloc : memref<!tpu.dma_semaphore, #tpu.memory_space<semaphore_mem>>
      %dma_start3A_19 = tpu.memref_slice %arg2[%mul3A_2, %run_scoped3A] : memref<128x512xi32, #tpu.memory_space<hbm>> -> memref<2x1xi32, #tpu.memory_space<hbm>>
      %dma_start3A_20 = tpu.memref_squeeze %dma_start3A_19 : memref<2x1xi32, #tpu.memory_space<hbm>> -> memref<2xi32, #tpu.memory_space<hbm>>
      %dma_start3A_21 = tpu.memref_slice %arg2[%mul3A_2, %run_scoped3A] : memref<128x512xi32, #tpu.memory_space<hbm>> -> memref<2x1xi32, #tpu.memory_space<hbm>>
      %dma_start3A_22 = tpu.memref_squeeze %dma_start3A_21 : memref<2x1xi32, #tpu.memory_space<hbm>> -> memref<2xi32, #tpu.memory_space<hbm>>
      tpu.enqueue_dma source(%dma_start3A_22 : memref<2xi32, #tpu.memory_space<hbm>>) target(%arg5 : memref<2xi32, #tpu.memory_space<vmem>>) target_semaphore(%run_scoped3A_18 : memref<!tpu.dma_semaphore, #tpu.memory_space<semaphore_mem>>)
      %dma_wait3A_23 = tpu.memref_slice %arg2[%mul3A_2, %run_scoped3A] : memref<128x512xi32, #tpu.memory_space<hbm>> -> memref<2x1xi32, #tpu.memory_space<hbm>>
      %dma_wait3A_24 = tpu.memref_squeeze %dma_wait3A_23 : memref<2x1xi32, #tpu.memory_space<hbm>> -> memref<2xi32, #tpu.memory_space<hbm>>
      %dma_wait3A_25 = tpu.memref_slice %arg2[%mul3A_2, %run_scoped3A] : memref<128x512xi32, #tpu.memory_space<hbm>> -> memref<2x1xi32, #tpu.memory_space<hbm>>
      %dma_wait3A_26 = tpu.memref_squeeze %dma_wait3A_25 : memref<2x1xi32, #tpu.memory_space<hbm>> -> memref<2xi32, #tpu.memory_space<hbm>>
      tpu.wait_dma2 semaphore(%run_scoped3A_18 : memref<!tpu.dma_semaphore, #tpu.memory_space<semaphore_mem>>) src(%dma_wait3A_26 : memref<2xi32, #tpu.memory_space<hbm>>) dst(%arg5 : memref<2xi32, #tpu.memory_space<vmem>>)
      tpu.yield
    }) : () -> ()
    %dma_start3A = arith.constant 0 : i32
    %dma_start3A_3 = arith.constant 0 : i32
    %dma_start3A_4 = tpu.memref_slice %arg3[%dma_start3A, %dma_start3A_3] : memref<30000x768xf32, #tpu.memory_space<hbm>> -> memref<30000x768xf32, #tpu.memory_space<hbm>>
    tpu.enqueue_indirect_dma source(%dma_start3A_4 : memref<30000x768xf32, #tpu.memory_space<hbm>>) target(%arg7 : memref<2x768xf32, #tpu.memory_space<vmem>>) offsets(%arg5 : memref<2xi32, #tpu.memory_space<vmem>>) semaphore(%arg9 : memref<!tpu.dma_semaphore, #tpu.memory_space<semaphore_mem>>)
    %add3A_5 = arith.constant 2 : i32
    %add3A_6 = arith.addi %mul3A_2, %add3A_5 : i32
    %run_scoped3A_7 = arith.constant 0 : i32
    "tpu.region"() ({
      %run_scoped3A_18 = tpu.sem_alloc : memref<!tpu.dma_semaphore, #tpu.memory_space<semaphore_mem>>
      %dma_start3A_19 = tpu.memref_slice %arg2[%add3A_6, %run_scoped3A_7] : memref<128x512xi32, #tpu.memory_space<hbm>> -> memref<2x1xi32, #tpu.memory_space<hbm>>
      %dma_start3A_20 = tpu.memref_squeeze %dma_start3A_19 : memref<2x1xi32, #tpu.memory_space<hbm>> -> memref<2xi32, #tpu.memory_space<hbm>>
      %dma_start3A_21 = tpu.memref_slice %arg2[%add3A_6, %run_scoped3A_7] : memref<128x512xi32, #tpu.memory_space<hbm>> -> memref<2x1xi32, #tpu.memory_space<hbm>>
      %dma_start3A_22 = tpu.memref_squeeze %dma_start3A_21 : memref<2x1xi32, #tpu.memory_space<hbm>> -> memref<2xi32, #tpu.memory_space<hbm>>
      tpu.enqueue_dma source(%dma_start3A_22 : memref<2xi32, #tpu.memory_space<hbm>>) target(%arg6 : memref<2xi32, #tpu.memory_space<vmem>>) target_semaphore(%run_scoped3A_18 : memref<!tpu.dma_semaphore, #tpu.memory_space<semaphore_mem>>)
      %dma_wait3A_23 = tpu.memref_slice %arg2[%add3A_6, %run_scoped3A_7] : memref<128x512xi32, #tpu.memory_space<hbm>> -> memref<2x1xi32, #tpu.memory_space<hbm>>
      %dma_wait3A_24 = tpu.memref_squeeze %dma_wait3A_23 : memref<2x1xi32, #tpu.memory_space<hbm>> -> memref<2xi32, #tpu.memory_space<hbm>>
      %dma_wait3A_25 = tpu.memref_slice %arg2[%add3A_6, %run_scoped3A_7] : memref<128x512xi32, #tpu.memory_space<hbm>> -> memref<2x1xi32, #tpu.memory_space<hbm>>
      %dma_wait3A_26 = tpu.memref_squeeze %dma_wait3A_25 : memref<2x1xi32, #tpu.memory_space<hbm>> -> memref<2xi32, #tpu.memory_space<hbm>>
      tpu.wait_dma2 semaphore(%run_scoped3A_18 : memref<!tpu.dma_semaphore, #tpu.memory_space<semaphore_mem>>) src(%dma_wait3A_26 : memref<2xi32, #tpu.memory_space<hbm>>) dst(%arg6 : memref<2xi32, #tpu.memory_space<vmem>>)
      tpu.yield
    }) : () -> ()
    %dma_start3A_8 = arith.constant 0 : i32
    %dma_start3A_9 = arith.constant 0 : i32
    %dma_start3A_10 = tpu.memref_slice %arg3[%dma_start3A_8, %dma_start3A_9] : memref<30000x768xf32, #tpu.memory_space<hbm>> -> memref<30000x768xf32, #tpu.memory_space<hbm>>
    tpu.enqueue_indirect_dma source(%dma_start3A_10 : memref<30000x768xf32, #tpu.memory_space<hbm>>) target(%arg8 : memref<2x768xf32, #tpu.memory_space<vmem>>) offsets(%arg6 : memref<2xi32, #tpu.memory_space<vmem>>) semaphore(%arg10 : memref<!tpu.dma_semaphore, #tpu.memory_space<semaphore_mem>>)
    %dma_wait3A = arith.constant 0 : i32
    %dma_wait3A_11 = arith.constant 0 : i32
    %dma_wait3A_12 = tpu.memref_slice %arg3[%dma_wait3A, %dma_wait3A_11] : memref<30000x768xf32, #tpu.memory_space<hbm>> -> memref<30000x768xf32, #tpu.memory_space<hbm>>
    tpu.wait_indirect_dma semaphore(%arg9 : memref<!tpu.dma_semaphore, #tpu.memory_space<semaphore_mem>>) src(%dma_wait3A_12 : memref<30000x768xf32, #tpu.memory_space<hbm>>) dst(%arg7 : memref<2x768xf32, #tpu.memory_space<vmem>>)
    "tpu.region"() ({
      %run_scoped3A_18 = tpu.sem_alloc : memref<!tpu.dma_semaphore, #tpu.memory_space<semaphore_mem>>
      %dma_start3A_19 = arith.constant 0 : i32
      %dma_start3A_20 = tpu.memref_slice %arg4[%mul3A_2, %dma_start3A_19] : memref<128x768xf32, #tpu.memory_space<hbm>> -> memref<2x768xf32, #tpu.memory_space<hbm>>
      %dma_start3A_21 = arith.constant 0 : i32
      %dma_start3A_22 = tpu.memref_slice %arg4[%mul3A_2, %dma_start3A_21] : memref<128x768xf32, #tpu.memory_space<hbm>> -> memref<2x768xf32, #tpu.memory_space<hbm>>
      tpu.enqueue_dma source(%arg7 : memref<2x768xf32, #tpu.memory_space<vmem>>) target(%dma_start3A_22 : memref<2x768xf32, #tpu.memory_space<hbm>>) target_semaphore(%run_scoped3A_18 : memref<!tpu.dma_semaphore, #tpu.memory_space<semaphore_mem>>)
      %dma_wait3A_23 = arith.constant 0 : i32
      %dma_wait3A_24 = tpu.memref_slice %arg4[%mul3A_2, %dma_wait3A_23] : memref<128x768xf32, #tpu.memory_space<hbm>> -> memref<2x768xf32, #tpu.memory_space<hbm>>
      %dma_wait3A_25 = arith.constant 0 : i32
      %dma_wait3A_26 = tpu.memref_slice %arg4[%mul3A_2, %dma_wait3A_25] : memref<128x768xf32, #tpu.memory_space<hbm>> -> memref<2x768xf32, #tpu.memory_space<hbm>>
      tpu.wait_dma2 semaphore(%run_scoped3A_18 : memref<!tpu.dma_semaphore, #tpu.memory_space<semaphore_mem>>) src(%arg7 : memref<2x768xf32, #tpu.memory_space<vmem>>) dst(%dma_wait3A_26 : memref<2x768xf32, #tpu.memory_space<hbm>>)
      tpu.yield
    }) : () -> ()
    %dma_wait3A_13 = arith.constant 0 : i32
    %dma_wait3A_14 = arith.constant 0 : i32
    %dma_wait3A_15 = tpu.memref_slice %arg3[%dma_wait3A_13, %dma_wait3A_14] : memref<30000x768xf32, #tpu.memory_space<hbm>> -> memref<30000x768xf32, #tpu.memory_space<hbm>>
    tpu.wait_indirect_dma semaphore(%arg10 : memref<!tpu.dma_semaphore, #tpu.memory_space<semaphore_mem>>) src(%dma_wait3A_15 : memref<30000x768xf32, #tpu.memory_space<hbm>>) dst(%arg8 : memref<2x768xf32, #tpu.memory_space<vmem>>)
    %add3A_16 = arith.constant 2 : i32
    %add3A_17 = arith.addi %mul3A_2, %add3A_16 : i32
    "tpu.region"() ({
      %run_scoped3A_18 = tpu.sem_alloc : memref<!tpu.dma_semaphore, #tpu.memory_space<semaphore_mem>>
      %dma_start3A_19 = arith.constant 0 : i32
      %dma_start3A_20 = tpu.memref_slice %arg4[%add3A_17, %dma_start3A_19] : memref<128x768xf32, #tpu.memory_space<hbm>> -> memref<2x768xf32, #tpu.memory_space<hbm>>
      %dma_start3A_21 = arith.constant 0 : i32
      %dma_start3A_22 = tpu.memref_slice %arg4[%add3A_17, %dma_start3A_21] : memref<128x768xf32, #tpu.memory_space<hbm>> -> memref<2x768xf32, #tpu.memory_space<hbm>>
      tpu.enqueue_dma source(%arg8 : memref<2x768xf32, #tpu.memory_space<vmem>>) target(%dma_start3A_22 : memref<2x768xf32, #tpu.memory_space<hbm>>) target_semaphore(%run_scoped3A_18 : memref<!tpu.dma_semaphore, #tpu.memory_space<semaphore_mem>>)
      %dma_wait3A_23 = arith.constant 0 : i32
      %dma_wait3A_24 = tpu.memref_slice %arg4[%add3A_17, %dma_wait3A_23] : memref<128x768xf32, #tpu.memory_space<hbm>> -> memref<2x768xf32, #tpu.memory_space<hbm>>
      %dma_wait3A_25 = arith.constant 0 : i32
      %dma_wait3A_26 = tpu.memref_slice %arg4[%add3A_17, %dma_wait3A_25] : memref<128x768xf32, #tpu.memory_space<hbm>> -> memref<2x768xf32, #tpu.memory_space<hbm>>
      tpu.wait_dma2 semaphore(%run_scoped3A_18 : memref<!tpu.dma_semaphore, #tpu.memory_space<semaphore_mem>>) src(%arg8 : memref<2x768xf32, #tpu.memory_space<vmem>>) dst(%dma_wait3A_26 : memref<2x768xf32, #tpu.memory_space<hbm>>)
      tpu.yield
    }) : () -> ()
    return
  }
}

module attributes {stable_mosaic.version = 14 : i64} {
  func.func @_moe_head(%arg0: memref<128x768xf32, #tpu.memory_space<vmem>>, %arg1: memref<128x1xf32, #tpu.memory_space<vmem>>, %arg2: memref<768x6xf32, #tpu.memory_space<vmem>>, %arg3: memref<1x6xf32, #tpu.memory_space<vmem>>, %arg4: memref<768x12xf32, #tpu.memory_space<vmem>>, %arg5: memref<1x12xf32, #tpu.memory_space<vmem>>, %arg6: memref<128x2xf32, #tpu.memory_space<vmem>>) attributes {dimension_semantics = [], scalar_prefetch = 0 : i64, scratch_operands = 0 : i64, tpu.core_type = #tpu.core_type<tc>} {
    %get3A = arith.constant 0 : index
    %get3A_0 = arith.constant 0 : index
    %get3A_1 = vector.load %arg0[%get3A, %get3A_0] : memref<128x768xf32, #tpu.memory_space<vmem>>, vector<128x768xf32>
    %get3A_2 = arith.constant 0 : index
    %get3A_3 = arith.constant 0 : index
    %get3A_4 = vector.load %arg1[%get3A_2, %get3A_3] : memref<128x1xf32, #tpu.memory_space<vmem>>, vector<128x1xf32>
    %mul3A = vector.broadcast %get3A_4 : vector<128x1xf32> to vector<128x768xf32>
    %mul3A_5 = arith.mulf %get3A_1, %mul3A : vector<128x768xf32>
    %get3A_6 = arith.constant 0 : index
    %get3A_7 = arith.constant 0 : index
    %get3A_8 = vector.load %arg2[%get3A_6, %get3A_7] : memref<768x6xf32, #tpu.memory_space<vmem>>, vector<768x6xf32>
    %dot_general3A = arith.constant dense<0.000000e+00> : vector<128x6xf32>
    %dot_general3A_9 = tpu.matmul %mul3A_5, %get3A_8, %dot_general3A {dimension_numbers = #tpu.dot_dimension_numbers<[1], [0], [0], [1], [0, 0, 1, 1], [], []>, transpose_lhs_hint = false} : vector<128x768xf32>, vector<768x6xf32>, vector<128x6xf32> -> vector<128x6xf32>
    %get3A_10 = arith.constant 0 : index
    %get3A_11 = arith.constant 0 : index
    %get3A_12 = vector.load %arg3[%get3A_10, %get3A_11] : memref<1x6xf32, #tpu.memory_space<vmem>>, vector<1x6xf32>
    %add3A = vector.broadcast %get3A_12 : vector<1x6xf32> to vector<128x6xf32>
    %add3A_13 = arith.addf %dot_general3A_9, %add3A : vector<128x6xf32>
    %get3A_14 = arith.constant 0 : index
    %get3A_15 = arith.constant 0 : index
    %get3A_16 = vector.load %arg4[%get3A_14, %get3A_15] : memref<768x12xf32, #tpu.memory_space<vmem>>, vector<768x12xf32>
    %dot_general3A_17 = arith.constant dense<0.000000e+00> : vector<128x12xf32>
    %dot_general3A_18 = tpu.matmul %mul3A_5, %get3A_16, %dot_general3A_17 {dimension_numbers = #tpu.dot_dimension_numbers<[1], [0], [0], [1], [0, 0, 1, 1], [], []>, transpose_lhs_hint = false} : vector<128x768xf32>, vector<768x12xf32>, vector<128x12xf32> -> vector<128x12xf32>
    %get3A_19 = arith.constant 0 : index
    %get3A_20 = arith.constant 0 : index
    %get3A_21 = vector.load %arg5[%get3A_19, %get3A_20] : memref<1x12xf32, #tpu.memory_space<vmem>>, vector<1x12xf32>
    %add3A_22 = vector.broadcast %get3A_21 : vector<1x12xf32> to vector<128x12xf32>
    %add3A_23 = arith.addf %dot_general3A_18, %add3A_22 : vector<128x12xf32>
    %reduce_max3A = arith.constant dense<0xFF800000> : vector<128xf32>
    %reduce_max3A_24 = vector.multi_reduction <maximumf>, %add3A_13, %reduce_max3A [1] : vector<128x6xf32> to vector<128xf32>
    %broadcast_in_dim3A = vector.shape_cast %reduce_max3A_24 : vector<128xf32> to vector<128x1xf32>
    %iota3A = tpu.iota {dimensions = array<i32: 1>} : vector<128x6xi32>
    %ge3A = vector.broadcast %broadcast_in_dim3A : vector<128x1xf32> to vector<128x6xf32>
    %ge3A_25 = arith.cmpf oge, %add3A_13, %ge3A : vector<128x6xf32>
    %jit3A = arith.constant 6 : i32
    %broadcast_in_dim3A_26 = vector.broadcast %jit3A : i32 to vector<128x6xi32>
    %select_n3A = arith.select %ge3A_25, %iota3A, %broadcast_in_dim3A_26 : vector<128x6xi1>, vector<128x6xi32>
    %reduce_min3A = arith.constant dense<2147483647> : vector<128xi32>
    %reduce_min3A_27 = vector.multi_reduction <minsi>, %select_n3A, %reduce_min3A [1] : vector<128x6xi32> to vector<128xi32>
    %broadcast_in_dim3A_28 = vector.shape_cast %reduce_min3A_27 : vector<128xi32> to vector<128x1xi32>
    %iota3A_29 = tpu.iota {dimensions = array<i32: 1>} : vector<128x12xi32>
    %mul3A_30 = arith.constant 2 : i32
    %mul3A_31 = vector.broadcast %mul3A_30 : i32 to vector<128x1xi32>
    %mul3A_32 = arith.muli %mul3A_31, %broadcast_in_dim3A_28 : vector<128x1xi32>
    %eq3A = vector.broadcast %mul3A_32 : vector<128x1xi32> to vector<128x12xi32>
    %eq3A_33 = arith.cmpi eq, %iota3A_29, %eq3A : vector<128x12xi32>
    %jit3A_34 = arith.constant 0.000000e+00 : f32
    %broadcast_in_dim3A_35 = vector.broadcast %jit3A_34 : f32 to vector<128x12xf32>
    %select_n3A_36 = arith.select %eq3A_33, %add3A_23, %broadcast_in_dim3A_35 : vector<128x12xi1>, vector<128x12xf32>
    %reduce_sum3A = arith.constant dense<0.000000e+00> : vector<128xf32>
    %reduce_sum3A_37 = vector.multi_reduction <add>, %select_n3A_36, %reduce_sum3A [1] : vector<128x12xf32> to vector<128xf32>
    %broadcast_in_dim3A_38 = vector.shape_cast %reduce_sum3A_37 : vector<128xf32> to vector<128x1xf32>
    %mul3A_39 = arith.constant 2 : i32
    %mul3A_40 = vector.broadcast %mul3A_39 : i32 to vector<128x1xi32>
    %mul3A_41 = arith.muli %mul3A_40, %broadcast_in_dim3A_28 : vector<128x1xi32>
    %add3A_42 = arith.constant 1 : i32
    %add3A_43 = vector.broadcast %add3A_42 : i32 to vector<128x1xi32>
    %add3A_44 = arith.addi %mul3A_41, %add3A_43 : vector<128x1xi32>
    %eq3A_45 = vector.broadcast %add3A_44 : vector<128x1xi32> to vector<128x12xi32>
    %eq3A_46 = arith.cmpi eq, %iota3A_29, %eq3A_45 : vector<128x12xi32>
    %jit3A_47 = arith.constant 0.000000e+00 : f32
    %broadcast_in_dim3A_48 = vector.broadcast %jit3A_47 : f32 to vector<128x12xf32>
    %select_n3A_49 = arith.select %eq3A_46, %add3A_23, %broadcast_in_dim3A_48 : vector<128x12xi1>, vector<128x12xf32>
    %reduce_sum3A_50 = arith.constant dense<0.000000e+00> : vector<128xf32>
    %reduce_sum3A_51 = vector.multi_reduction <add>, %select_n3A_49, %reduce_sum3A_50 [1] : vector<128x12xf32> to vector<128xf32>
    %broadcast_in_dim3A_52 = vector.shape_cast %reduce_sum3A_51 : vector<128xf32> to vector<128x1xf32>
    %iota3A_53 = tpu.iota {dimensions = array<i32: 1>} : vector<128x2xi32>
    %eq3A_54 = arith.constant 0 : i32
    %eq3A_55 = vector.broadcast %eq3A_54 : i32 to vector<128x2xi32>
    %eq3A_56 = arith.cmpi eq, %iota3A_53, %eq3A_55 : vector<128x2xi32>
    %broadcast_in_dim3A_57 = vector.shape_cast %broadcast_in_dim3A_38 : vector<128x1xf32> to vector<128x1xf32>
    %broadcast_in_dim3A_58 = vector.broadcast %broadcast_in_dim3A_57 : vector<128x1xf32> to vector<128x2xf32>
    %broadcast_in_dim3A_59 = vector.shape_cast %broadcast_in_dim3A_52 : vector<128x1xf32> to vector<128x1xf32>
    %broadcast_in_dim3A_60 = vector.broadcast %broadcast_in_dim3A_59 : vector<128x1xf32> to vector<128x2xf32>
    %select_n3A_61 = arith.select %eq3A_56, %broadcast_in_dim3A_58, %broadcast_in_dim3A_60 : vector<128x2xi1>, vector<128x2xf32>
    %swap3A = arith.constant 0 : index
    %swap3A_62 = arith.constant 0 : index
    %swap3A_63 = vector.load %arg6[%swap3A, %swap3A_62] : memref<128x2xf32, #tpu.memory_space<vmem>>, vector<128x2xf32>
    tpu.vector_store %arg6[%swap3A, %swap3A_62], %select_n3A_61 {strides = array<i32>} : memref<128x2xf32, #tpu.memory_space<vmem>>, vector<128x2xf32>,
    return
  }
}

</mosaic_0001>

<sc_bundles>
// kernel: kernel.4.cloned.1.call-start
scs
__scs_entry_jumppad:
0x0: {  	(pc) =	sbr.rel $0x88, $3  }
0x1: {  	(tag) =	ssettag $0x0;
	lr =	simm.s32 $0x1  }
0x2: {  	[smem:$0x3F9A] =	sst lr;
	_ =	strace $0xD0000000  }
0x3: {  	_ = 	snop  }
0x4: {  	_ = 	snop  }
0x5: {  	_ = 	snop  }
0x6: {  	_ = 	snop  }
0x7: {  	_ = 	snop  }
__scs_overlays_trampoline_lowered:
0x8: {  	[smem:$0x3FA9] =	sst s0  }
0x9: {  	[smem:$0x3FAA] =	sst s1  }
0xa: {  	[smem:$0x3FAB] =	sst s2  }
0xb: {  	[smem:$0x3FAC] =	sst s3  }
0xc: {  	[smem:$0x3FAD] =	sst s4  }
0xd: {  	[smem:$0x3FAE] =	sst s5  }
0xe: {  	[smem:$0x3FAF] =	sst s6  }
0xf: {  	[smem:$0x3FB0] =	sst s7  }
0x10: {  	[smem:$0x3FB1] =	sst s8  }
0x11: {  	[smem:$0x3FB2] =	sst s9;
	s0 =	simm.s32 @!p0 $0x0  }
0x12: {  	s1 =	sld [smem:$0x3F98];
	s0 =	simm.s32 @p0 $0x1  }
0x13: {  	[smem:$0x3FB3] =	sst s0;
	s0 =	simm.s32 @!p1 $0x0  }
0x14: {  	s2 =	sld [smem:$0x3F97];
	s0 =	simm.s32 @p1 $0x1  }
0x15: {  	[smem:$0x3FB4] =	sst s0;
	s0 =	simm.s32 @!p2 $0x0  }
0x16: {  	s3 =	sld [smem:$0x3FDB];
	s0 =	simm.s32 @p2 $0x1  }
0x17: {  	s4 =	simm.s32 $0x1BF5;
	[smem:$0x3FB6] =	sst s0  }
0x18: {  	s0 =	sld [smem:$0x3F99];
	_ =	swait.ge [sflag:s4], $0x0  }
0x19: {  	s7 =	sld [smem:$0x3F9A]  }
0x1a: {  	s8 =	sadd.s32 $0xFFFFE003, lr  }
0x1b: {  	s9 =	sadd.s32 $0xFFFFFEF7, lr;
	s5 =	simm.s32 $0xFFFFFFFF;
	p2 =	slt.u32 s8, $0xFFFFF086  }
0x1c: {  	p1 =	slt.u32 s9, $0xF7A;
	s5 =	simm.s32 @!p2 $0x0  }
0x1d: {  	s5 =	simm.s32 @p1 $0x1;
	p0 =	seq.s32 s7, s2  }
0x1e: {  	s7 =	smul.u32 @!p0 $0xF7A, s2;
	p2 =	seq.s32 @!p0 s5, $0x0  }
0x1f: {  	s9 =	smul.u32 $0xF7A, s1;
	s8 =	simm.s32 @!p0 $0x1BF5;
	p2 =	por !p2, p0  }
0x20: {  	[sflag:s8] =	ssyncset.s32 @!p0 $0xFFFFF086;
	s6 =	sadd.s32 @!p0 s3, s7;
	s7 =	simm.s32 @!p0 $0x108  }
0x21: {  	s3 =	sadd.s32 s3, s9;
	s6 =	sadd.s32 @!p0 $0x88, s6;
	s7 =	simm.s32 @p2 $0x1082  }
0x22: {  	[simem:s7], [sflag:s8] =	dma.local @!p0 [hbm:s6], $0xF7A  }
0x23: {  	s9 =	sor.u32 $0xD0000000, s2;
	s6 =	simm.s32 $0x108;
	_ =	swait.ge @!p0 [sflag:s8], $0x0  }
0x24: {  	s3 =	sadd.s32 $0x88, s3;
	s6 =	simm.s32 @!p1 $0x1082;
	[sflag:s4] =	ssyncset.s32 $0xFFFFF086  }
0x25: {  	[simem:s6], [sflag:s4] =	dma.local [hbm:s3], $0xF7A  }
0x26: {  	[smem:$0x3F9A] =	sst s1;
	(tag) =	ssettag s2;
	_ =	strace s9  }
0x27: {  	s1 =	sld [smem:$0x3FAA]  }
0x28: {  	s2 =	sld [smem:$0x3FAB]  }
0x29: {  	s4 =	sld [smem:$0x3FAD]  }
0x2a: {  	p0 =	seq.s32 s5, $0x0;
	s5 =	sld [smem:$0x3FAE]  }
0x2b: {  	s6 =	sld [smem:$0x3FAF]  }
0x2c: {  	s7 =	sld [smem:$0x3FB0]  }
0x2d: {  	s3 =	simm.s32 $0x108;
	s8 =	sld [smem:$0x3FB1]  }
0x2e: {  	s3 =	simm.s32 @!p0 $0x1082;
	s9 =	sld [smem:$0x3FB2]  }
0x2f: {  	lr =	sadd.s32 s0, s3;
	s0 =	sld [smem:$0x3FA9]  }
0x30: {  	s3 =	sld [smem:$0x3FAC]  }
0x31: {  	[smem:$0x3FB5] =	sst s10  }
0x32: {  	s10 =	sld [smem:$0x3FB3];
	_ =	sdelay $0x3  }
0x33: {  	p0 =	seq.s32 s10, $0x1;
	s10 =	sld [smem:$0x3FB5];
	_ =	sdelay $0x3  }
0x34: {  	[smem:$0x3FB5] =	sst s10  }
0x35: {  	s10 =	sld [smem:$0x3FB4];
	_ =	sdelay $0x3  }
0x36: {  	p1 =	seq.s32 s10, $0x1;
	s10 =	sld [smem:$0x3FB5];
	_ =	sdelay $0x3  }
0x37: {  	[smem:$0x3FB5] =	sst s10  }
0x38: {  	s10 =	sld [smem:$0x3FB6]  }
0x39: {  	_ = 	snop;
	(pc) =	sbr.ind lr, $3  }
0x3a: {  	_ = 	snop  }
0x3b: {  	_ = 	snop  }
0x3c: {  	p2 =	seq.s32 s10, $0x1;
	s10 =	sld [smem:$0x3FB5]  }
0x3d: {  	_ =	shalt  }
0x3e: {  	_ =	shalt  }
0x3f: {  	_ =	shalt  }
0x40: {  	_ =	shalt  }
0x41: {  	_ =	shalt  }
0x42: {  	_ =	shalt  }
0x43: {  	_ =	shalt  }
0x44: {  	_ =	shalt  }
0x45: {  	_ =	shalt  }
0x46: {  	_ =	shalt  }
0x47: {  	_ =	shalt  }
0x48: {  	_ =	shalt  }
0x49: {  	_ =	shalt  }
0x4a: {  	_ =	shalt  }
0x4b: {  	_ =	shalt  }
0x4c: {  	_ =	shalt  }
0x4d: {  	_ =	shalt  }
0x4e: {  	_ =	shalt  }
0x4f: {  	_ =	shalt  }
0x50: {  	_ =	shalt  }
0x51: {  	_ =	shalt  }
0x52: {  	_ =	shalt  }
0x53: {  	_ =	shalt  }
0x54: {  	_ =	shalt  }
0x55: {  	_ =	shalt  }
0x56: {  	_ =	shalt  }
0x57: {  	_ =	shalt  }
0x58: {  	_ =	shalt  }
0x59: {  	_ =	shalt  }
0x5a: {  	_ =	shalt  }
0x5b: {  	_ =	shalt  }
0x5c: {  	_ =	shalt  }
0x5d: {  	_ =	shalt  }
0x5e: {  	_ =	shalt  }
0x5f: {  	_ =	shalt  }
0x60: {  	_ =	shalt  }
0x61: {  	_ =	shalt  }
0x62: {  	_ =	shalt  }
0x63: {  	_ =	shalt  }
0x64: {  	_ =	shalt  }
0x65: {  	_ =	shalt  }
0x66: {  	_ =	shalt  }
0x67: {  	_ =	shalt  }
0x68: {  	_ =	shalt  }
0x69: {  	_ =	shalt  }
0x6a: {  	_ =	shalt  }
0x6b: {  	_ =	shalt  }
0x6c: {  	_ =	shalt  }
0x6d: {  	_ =	shalt  }
0x6e: {  	_ =	shalt  }
0x6f: {  	_ =	shalt  }
0x70: {  	_ =	shalt  }
0x71: {  	_ =	shalt  }
0x72: {  	_ =	shalt  }
0x73: {  	_ =	shalt  }
0x74: {  	_ =	shalt  }
0x75: {  	_ =	shalt  }
0x76: {  	_ =	shalt  }
0x77: {  	_ =	shalt  }
0x78: {  	_ =	shalt  }
0x79: {  	_ =	shalt  }
0x7a: {  	_ =	shalt  }
0x7b: {  	_ =	shalt  }
0x7c: {  	_ =	shalt  }
0x7d: {  	_ =	shalt  }
0x7e: {  	_ =	shalt  }
0x7f: {  	_ =	shalt  }
0x80: {  	_ =	shalt  }
0x81: {  	_ =	shalt  }
0x82: {  	_ =	shalt  }
0x83: {  	_ =	shalt  }
0x84: {  	_ =	shalt  }
0x85: {  	_ =	shalt  }
0x86: {  	_ =	shalt  }
0x87: {  	_ =	shalt  }
.Lfunc_end0:
.L_simem_size_0:
called_computation_lowered:
.L_overlay_start_0:
0x88: {  	s2 =	sld [smem:$0x3FD9]  }
0x89: {  	s3 =	sld [smem:$0x3FFE];
	_ =	sdelay $0x1  }
0x8a: {  	s1 =	srdreg.scid  }
0x8b: {  	s0 =	sand.u32 $0x1, s1  }
0x8c: {  	s17 =	sshll.u32 s0, $0xA;
	s2 =	sadd.s32 s3, s2  }
0x8d: {  	s2 =	sadd.s32 s2, s17  }
0x8e: {  	[smem:$0x3FC1] =	sst s2  }
0x8f: {  	_ = 	snop  }
0x90: {  	s2 =	sld [smem:$0x3FC9]  }
0x91: {  	s18 =	sld [smem:$0x3FC7];
	(tm) =	ssettm $0x1  }
0x92: {  	s4 =	sld [smem:$0x3FFB];
	_ =	sdelay $0x3  }
0x93: {  	_ =	strace s4  }
0x94: {  	s4 =	sld [smem:$0x3FFC];
	_ =	sdelay $0x3  }
0x95: {  	_ =	strace s4  }
0x96: {  	s4 =	sld [smem:$0x3FFD];
	_ =	sdelay $0x3  }
0x97: {  	_ =	strace s4  }
0x98: {  	_ =	strace $0x8FFFFFFF  }
0x99: {  	s19 =	sld [smem:$0x3FDB];
	_ =	sdelay $0x1  }
0x9a: {  	s5 =	simm.s32 $_scs_section_size  }
0x9b: {  	s6 =	simm.s32 $_size__tile_overlayer_lowered;
	s7 =	simm.s32 $_tile_overlayer_lowered  }
0x9c: {  	s22 =	simm.s32 $0x1BFF;
	s21 =	sshll.u32 s7, $0x1;
	s4 =	sadd.s32 s5, s19  }
0x9d: {  	s8 =	simm.s32 $0x0;
	s20 =	sshll.u32 s6, $0x1;
	s6 =	sadd.s32 s21, s4  }
0x9e: {  	[timem:s8], [sflag:s22] =	dma.local [hbm:s6], s20  }
0x9f: {  	_ =	swait.ge [sflag:s22], s20  }
0xa0: {  	s5 =	ssub.s32 $0x0, s20;
	[sflag:s22] =	ssyncset.done $0x0  }
0xa1: {  	[sflag:s22] =	ssyncadd.s32 s5;
	_ =	sdelay $0x1  }
0xa2: {  	s23 =	simm.s32 $0x1B8B  }
0xa3: {  	_ =	swait.ge [sflag:s23], $0x1  }
0xa4: {  	[sflag:s23] =	ssyncset.done $0x0  }
0xa5: {  	s25 =	simm.s32 $0x1B8E;
	s24 =	sld [smem:$0x3FFE];
	[sflag:s23] =	ssyncadd.s32 $0xFFFFFFFF  }
0xa6: {  	s26 =	simm.s32 $execute0_lowered;
	[smem:$0x3FD2] =	sst s25  }
0xa7: {  	s6 =	sshll.u32 s26, $0x1;
	_ =	strace $0x80000046;
	[dreg:$0x1] =	wrdreg $0xFFFFFFFF  }
0xa8: {  	s28 =	simm.s32 $_size_execute0_lowered;
	s4 =	sadd.s32 s4, s6;
	[dreg:$0x0] =	wrdreg $0x0  }
0xa9: {  	s6 =	sshll.u32 s28, $0x1;
	[dreg:$0x2] =	wrdreg s4  }
0xaa: {  	[dreg:$0x3] =	wrdreg s6  }
0xab: {  	[dreg:$0x4] =	wrdreg $0xC0  }
0xac: {  	_ =	task [dreg:s8], $0x5FFFF  }
0xad: {  	[dreg:$0x1] =	wrdreg $0xFFFFFFFF  }
0xae: {  	[dreg:$0x0] =	wrdreg $0x60  }
0xaf: {  	[dreg:$0x2] =	wrdreg s2  }
0xb0: {  	[dreg:$0x3] =	wrdreg s18  }
0xb1: {  	[dreg:$0x4] =	wrdreg s24  }
0xb2: {  	[dreg:$0x5] =	wrdreg $0x9  }
0xb3: {  	_ =	task.clear_ibuf [dreg:s8], $0x6FFFF;
	_ =	strace $0x90000046  }
0xb4: {  	s29 =	simm.s32 $0x9;
	_ =	strace $0x80000048  }
0xb5: {  	_ =	swait.ge [sflag:s29], $0x1  }
0xb6: {  	[sflag:s29] =	ssyncadd.s32 $0xFFFFFFFF  }
0xb7: {  	_ =	strace $0x90000048  }
0xb8: {  	_ =	sfence  }
0xb9: {  	s30 =	sld [smem:$0x0];
	_ =	sdelay $0x2  }
0xba: {  	s31 =	sshll.u32 s1, $0xD;
	s1 =	sshrl.u32 s1, $0x2  }
0xbb: {  	s3 =	sand.u32 $0x4000, s31;
	s1 =	sadd.s32 s1, s30  }
0xbc: {  	s0 =	sor.u32 s3, s0;
	s1 =	sshll.u32 s1, $0x11  }
0xbd: {  	s0 =	sor.u32 s1, s0  }
0xbe: {  	s0 =	sadd.s32 $0x8F2B, s0  }
0xbf: {  	[sflag:s0] =	ssyncadd.remote.s32 $0x1  }
0xc0: {  	_ =	sfence.sel $0xFFFF  }
0xc1: {  	[dreg:$0x0] =	wrdreg $0xFFFFFFFF;
	(pc) =	sbr.abs _section_cstart, $3  }
0xc2: {  	[dreg:$0x1] =	wrdreg $0xFFFFFFFF  }
0xc3: {  	_ =	task.clear_ibuf [dreg:s8], $0x2FFFF;
	_ =	strace $0x9FFFFFFF  }
0xc4: {  	(tm) =	ssettm $0x7FFFFFFF  }
0xc5: {  	_ =	shalt  }
tec
execute0_lowered:
.L_overlay_start_1:
0x0: {  	(tag) =	ssettag $0x1  }
0x1: {  	s5 =	rddreg [dreg:$0x0]  }
0x2: {  	s1 =	rddreg [dreg:$0x1]  }
0x3: {  	s3 =	rddreg [dreg:$0x2]  }
0x4: {  	s0 =	rddreg [dreg:$0x3];
	s2 =	simm.s32 $0x0  }
0x5: {  	s4 =	srdreg.scid;
	s13 =	simm.s32 $0x700;
	s14 =	simm.s32 $0x400  }
0x6: {  	s15 =	simm.s32 $0x2;
	[smem:$0x7FF] =	sst s2;
	s7 =	sadd.s32 $0xE00, s3  }
0x7: {  	s3 =	stileid.u32;
	s4 =	sand.u32 $0x1, s4;
	_ =	strace $0x80000047  }
0x8: {  	s6 =	ssub.s32 $0x2, s4;
	s8 =	sshll.u32 s4, $0x9;
	s9 =	sshll.u32 s3, $0xC  }
0x9: {  	s11 =	smul.u32 $0x1800, s3;
	s26 =	sshrl.u32 s6, $0x1;
	s10 =	sor.u32 s8, s9  }
0xa: {  	s29 =	sor.u32 $0x100, s8;
	s12 =	ssub.s32 s6, s26;
	s28 =	sshrl.u32 s10, $0x3  }
0xb: {  	s9 =	sor.u32 s9, s29;
	s8 =	sor.u32 s8, s11;
	s30 =	sor.u32 s11, s29  }
0xc: {  	s10 =	simm.s32 $0x80;
	s11 =	simm.s32 $0x3;
	s4 =	sadd.s32 s5, s28  }
0xd: {  	v0 =	vlaneseq.u32;
	s9 =	sshrl.u32 s9, $0x3;
	s8 =	sshrl.u32 s8, $0x3;
	s31 =	sshrl.u32 s30, $0x3  }
0xe: {  	v1 =	vshrl.u32 v0, $0x1;
	s5 =	sadd.s32 s5, s9;
	s6 =	sadd.s32 s7, s8;
	s7 =	sadd.s32 s7, s31  }
0xf: {  	vm0 =	vmmov $0xfff;
	v0 =	vand.u32 $0x1, v0;
	v1 =	vmul.u32 $0x8, v1;
	s8 =	smax.u32 s12, $0x1;
	s9 =	simm.s32 $0x1;
	s12 =	simm.s32 $0x100  }
.LBB2_1:
0x10: {  	[tilespmem:s2], [sflag:$0x3] =	stream.strided.gather [hbm4b:s4+s9], $0x2, s10, s9, $0x38;
	[tilespmem:$0xD00] =	vst v63  }
0x11: {  	_ =	swait.ge [sflag:s11], $0x2  }
0x12: {  	[sflag:s11] =	ssyncset.done $0x0  }
0x13: {  	[sflag:s11] =	ssyncadd.s32 $0xFFFFFFFE  }
0x14: {  	v2 =	vld.msk [tilespmem:$0x0], $0x3;
	_ =	sdelay $0x4  }
0x15: {  	v3 =	vshrl.u32 v2, $0x3  }
0x16: {  	v3 =	vmul.u32 $0x30, v3  }
0x17: {  	v2 =	vand.u32 $0x7, v2  }
0x18: {  	v2 =	vor.u32 v2, v3  }
0x19: {  	v2 =	vperm.xlane v2, v0;
	_ =	sdelay $0x1  }
0x1a: {  	v2 =	vadd.s32 v1, v2;
	_ =	sdelay $0x4  }
0x1b: {  	[tilespmem:s12], [sflag:$0x1] =	stream.indirect_vreg.gather [hbm4b:s1+s2], $0x80, v2, vm0, $0xb8;
	[tilespmem:$0xD00] =	vst v63  }
0x1c: {  	_ = 	snop  }
0x1d: {  	[tilespmem:s10], [sflag:$0x3] =	stream.strided.gather [hbm4b:s5+s9], $0x2, s10, s9, $0x38;
	[tilespmem:$0xD00] =	vst v63  }
0x1e: {  	_ =	swait.ge [sflag:s11], $0x2  }
0x1f: {  	[sflag:s11] =	ssyncset.done $0x0  }
0x20: {  	[sflag:s11] =	ssyncadd.s32 $0xFFFFFFFE  }
0x21: {  	v2 =	vld.msk [tilespmem:$0x80], $0x3;
	_ =	sdelay $0x4  }
0x22: {  	v3 =	vshrl.u32 v2, $0x3  }
0x23: {  	v3 =	vmul.u32 $0x30, v3  }
0x24: {  	v2 =	vand.u32 $0x7, v2  }
0x25: {  	v2 =	vor.u32 v2, v3  }
0x26: {  	v2 =	vperm.xlane v2, v0;
	_ =	sdelay $0x1  }
0x27: {  	v2 =	vadd.s32 v1, v2;
	_ =	sdelay $0x4  }
0x28: {  	[tilespmem:s13], [sflag:$0x2] =	stream.indirect_vreg.gather [hbm4b:s1+s2], $0x80, v2, vm0, $0xb8;
	[tilespmem:$0xD00] =	vst v63  }
0x29: {  	_ =	swait.ge [sflag:s9], $0x600  }
0x2a: {  	[sflag:s9] =	ssyncset.done $0x0  }
0x2b: {  	[sflag:s9] =	ssyncadd.s32 $0xFFFFFA00  }
0x2c: {  	[hbm4b:s6+s12] =	stream.strided.scatter [tilespmem:s12], [sflag:$0x3], $0x600, s14, s12, $0x38;
	[tilespmem:$0xD00] =	vst v63  }
0x2d: {  	_ =	swait.ge [sflag:s11], $0x600  }
0x2e: {  	[sflag:s11] =	ssyncset.done $0x0  }
0x2f: {  	[sflag:s11] =	ssyncadd.s32 $0xFFFFFA00  }
0x30: {  	_ =	swait.ge [sflag:s15], $0x600  }
0x31: {  	p0 =	sne.s32 s8, $0x1;
	[sflag:s15] =	ssyncset.done $0x0  }
.Ltmp0:
0x32: {  	[sflag:s15] =	ssyncadd.s32 $0xFFFFFA00;
	(pc) =	sbr.rel @p0 .LBB2_1-.Ltmp0, $4  }
0x33: {  	[hbm4b:s7+s12] =	stream.strided.scatter [tilespmem:s13], [sflag:$0x3], $0x600, s14, s12, $0x38;
	[tilespmem:$0xD00] =	vst v63  }
0x34: {  	_ =	swait.ge [sflag:s11], $0x600  }
0x35: {  	[sflag:s11] =	ssyncset.done $0x0  }
0x36: {  	s8 =	sadd.s32 $0xFFFFFFFF, s8;
	[sflag:s11] =	ssyncadd.s32 $0xFFFFFA00  }
0x37: {  	_ =	sfence.sel $0x180000  }
0x38: {  	[bflag:$0x0] =	sbarrier.arrive $0xFFFF  }
0x39: {  	p0 =	sne.s32 s3, $0x0;
	_ =	strace $0x90000047  }
0x3a: {  	s0 =	sadd.s32 @!p0 $0x100000, s0;
	[bflag:$0x2] =	sbarrier.arrive $0xFFFF  }
0x3b: {  	[sflag:s0] =	ssyncadd.tile.s32 @!p0 $0x1;
	_ =	shalt  }
.Lfunc_end2:
_tile_overlayer_lowered:
.L_overlay_start_2:
0x3c: {  	(tag) =	ssettag $0x2  }
0x3d: {  	s0 =	rddreg [dreg:$0x0];
	s2 =	stileid.u32  }
0x3e: {  	s1 =	rddreg [dreg:$0x1];
	p0 =	sne.s32 s2, $0x0  }
0x3f: {  	s3 =	rddreg [dreg:$0x2];
	[bflag:$0x3] =	sbarrier.arrive $0xFFFF;
	s2 =	simm.s32 @!p0 $0x1C03  }
0x40: {  	[timem:s3], [sflag:s2] =	dma.local @!p0 [hbm:s0], s1  }
0x41: {  	s0 =	simm.s32 @!p0 $0x3  }
0x42: {  	_ =	swait.ge @!p0 [sflag:s0], s1  }
0x43: {  	s1 =	ssub.s32 @!p0 $0x0, s1;
	[sflag:s0] =	ssyncset.done @!p0 $0x0  }
0x44: {  	[sflag:s0] =	ssyncadd.s32 @!p0 s1  }
0x45: {  	[bflag:$0x3] =	sbarrier.arrive $0xFFFF  }
0x46: {  	_ =	shalt  }

</sc_bundles>
